<compile_context>
chip_gen: v7x
topology: tpu7x:2x2x1
jax: 0.10.2.dev20260603
libtpu: 0.0.44.dev20260713+nightly
codegen_flags: <defaults>
</compile_context>

<pallas_src>
import functools

import jax
import jax.numpy as jnp
from jax import lax
from jax.experimental import pallas as pl
from jax.experimental.pallas import tpu as pltpu
from jax.experimental.pallas import tpu_sc as plsc

_NC = 2
_NS = 16
_NW = _NC * _NS
_NBUF = 4


@functools.lru_cache(maxsize=None)
def _tc_flatten(V, D, blk):
    pack = 128 // D
    n_out = blk * D // 128
    assert blk % 128 == 0 and blk % pack == 0

    def body(in_ref, out_ref):
        x = in_ref[...]
        y = x.T
        y3 = y.reshape(n_out, pack, D)
        out_ref[...] = jnp.concatenate(
            [y3[:, q, :] for q in range(pack)], axis=-1
        )

    return pl.pallas_call(
        body,
        grid=(pl.cdiv(V, blk),),
        in_specs=[pl.BlockSpec((D, blk), lambda g: (0, g))],
        out_specs=pl.BlockSpec((n_out, 128), lambda g: (g, 0)),
        out_shape=jax.ShapeDtypeStruct((V * D // 128, 128), jnp.float32),
    )


@functools.lru_cache(maxsize=None)
def _sc_gather(B, V, D, chunk):
    b_per_w = B // _NW
    n_chunks = b_per_w // chunk

    mesh = plsc.VectorSubcoreMesh(core_axis_name="c", subcore_axis_name="s")

    @functools.partial(
        pl.kernel,
        mesh=mesh,
        out_type=jax.ShapeDtypeStruct((B, D), jnp.float32),
        compiler_params=pltpu.CompilerParams(use_tc_tiling_on_sc=False),
        scratch_types=(
            [pltpu.VMEM((b_per_w,), jnp.int32)]
            + [pltpu.VMEM((chunk, D), jnp.float32)] * _NBUF
            + [pltpu.SemaphoreType.DMA] * (2 * _NBUF)
        ),
    )
    def gather_kernel(data_hbm, table_hbm, out_hbm, idx_v, *bufs_and_sems):
        bufs = bufs_and_sems[:_NBUF]
        gs = bufs_and_sems[_NBUF:2 * _NBUF]
        ws = bufs_and_sems[2 * _NBUF:]
        wid = lax.axis_index("s") * _NC + lax.axis_index("c")
        base = wid * b_per_w
        pltpu.sync_copy(data_hbm.at[pl.ds(base, b_per_w)], idx_v)

        def start_gather(j, b):
            pltpu.async_copy(
                table_hbm.at[idx_v.at[pl.ds(j * chunk, chunk)]], bufs[b], gs[b]
            )

        start_gather(0, 0)
        start_gather(1, 1)

        def body(h, carry):
            for off in range(_NBUF):
                j = _NBUF * h + off
                pltpu.make_async_copy(
                    table_hbm.at[idx_v.at[pl.ds(0, chunk)]], bufs[off], gs[off]
                ).wait()
                pltpu.async_copy(
                    bufs[off], out_hbm.at[pl.ds(base + j * chunk, chunk)],
                    ws[off],
                )
                nb = (off + 2) % _NBUF
                if off < 2:
                    @pl.when(h > 0)
                    def _():
                        pltpu.make_async_copy(
                            bufs[nb], out_hbm.at[pl.ds(base, chunk)], ws[nb]
                        ).wait()

                    @pl.when(j + 2 < n_chunks)
                    def _():
                        start_gather(j + 2, nb)
                else:
                    pltpu.make_async_copy(
                        bufs[nb], out_hbm.at[pl.ds(base, chunk)], ws[nb]
                    ).wait()

                    @pl.when(j + 2 < n_chunks)
                    def _():
                        start_gather(j + 2, nb)
            return carry

        lax.fori_loop(0, n_chunks // _NBUF, body, 0)
        pltpu.make_async_copy(
            bufs[2], out_hbm.at[pl.ds(base, chunk)], ws[2]
        ).wait()
        pltpu.make_async_copy(
            bufs[3], out_hbm.at[pl.ds(base, chunk)], ws[3]
        ).wait()

    return gather_kernel


def kernel(data, batch_sizes, table):
    B = data.shape[0]
    V, D = table.shape
    tt = table.T
    flat = _tc_flatten(V, D, 8064)(tt)
    table_rm = jnp.reshape(flat, (V, D))
    rows = _sc_gather(B, V, D, 640)(data.astype(jnp.int32), table_rm)
    return (rows, batch_sizes)

# --- scband reference (transcript-rebuilt; emitter-appended) ---
"""Pipeline reference for scband-packed-embedding-73916387164209 (READ-ONLY COPY).

The authoritative reference and input builder live on the scoring server;
editing this copy changes nothing except your own understanding.
"""

import jax, jax.numpy as jnp
import numpy as np

VOCAB = 1000000
DIM = 32
TOTAL_TOKENS = 819200
STEPS = 200

def setup_inputs(seed: int = 0) -> dict:
    key = jax.random.key(seed)
    k1, k2, k3 = jax.random.split(key, 3)
    data = jax.random.randint(k1, (TOTAL_TOKENS,), 0, VOCAB, dtype=jnp.int64 if jax.config.jax_enable_x64 else jnp.int32)
    batch_sizes = jax.random.randint(k2, (STEPS,), 1, 4096, dtype=jnp.int32)
    # learned embedding table, matching nn.Embedding default init N(0,1)
    table = jax.random.normal(k3, (VOCAB, DIM), dtype=jnp.float32)
    return {"data": data, "batch_sizes": batch_sizes, "table": table}

def reference(data, batch_sizes, table):
    # PackedEmbedding.forward: embed the packed .data, pass batch_sizes through
    embedded = jnp.take(table, data, axis=0)
    return (embedded, batch_sizes)

if __name__ == "__main__":
    import jax
    _d = setup_inputs()
    print(jax.jit(kernel)(*tuple(_d.values())))

</pallas_src>

<mosaic_0001>
#map = affine_map<(d0, d1) -> (0)>
#map1 = affine_map<(d0, d1) -> (0, 0)>
module attributes {stable_mosaic.version = 14 : i64} {
  func.func @gather_kernel(%arg0: i32, %arg1: i32, %arg2: memref<819200xi32, #tpu.memory_space<hbm>>, %arg3: memref<1000000x32xf32, #tpu.memory_space<hbm>>, %arg4: memref<819200x32xf32, #tpu.memory_space<hbm>>, %arg5: memref<25600xi32, #tpu.memory_space<vmem>>, %arg6: memref<640x32xf32, #tpu.memory_space<vmem>>, %arg7: memref<640x32xf32, #tpu.memory_space<vmem>>, %arg8: memref<640x32xf32, #tpu.memory_space<vmem>>, %arg9: memref<640x32xf32, #tpu.memory_space<vmem>>, %arg10: memref<!tpu.dma_semaphore, #tpu.memory_space<semaphore_mem>>, %arg11: memref<!tpu.dma_semaphore, #tpu.memory_space<semaphore_mem>>, %arg12: memref<!tpu.dma_semaphore, #tpu.memory_space<semaphore_mem>>, %arg13: memref<!tpu.dma_semaphore, #tpu.memory_space<semaphore_mem>>, %arg14: memref<!tpu.dma_semaphore, #tpu.memory_space<semaphore_mem>>, %arg15: memref<!tpu.dma_semaphore, #tpu.memory_space<semaphore_mem>>, %arg16: memref<!tpu.dma_semaphore, #tpu.memory_space<semaphore_mem>>, %arg17: memref<!tpu.dma_semaphore, #tpu.memory_space<semaphore_mem>>) attributes {dimension_semantics = [#tpu.dimension_semantics<core_parallel>, #tpu.dimension_semantics<subcore_parallel>], iteration_bounds = array<i64: 2, 16>, scalar_prefetch = 0 : i64, scratch_operands = 13 : i64, tpu.core_type = #tpu.core_type<sc_vector_subcore>, window_params = [{transform_indices = #map}, {transform_indices = #map1}, {transform_indices = #map1}]} {
    %mul3A = arith.constant 2 : i32
    %mul3A_0 = arith.muli %arg1, %mul3A : i32
    %add3A = arith.addi %mul3A_0, %arg0 : i32
    %mul3A_1 = arith.constant 25600 : i32
    %mul3A_2 = arith.muli %add3A, %mul3A_1 : i32
    "tpu.region"() ({
      %run_scoped3A = tpu.sem_alloc : memref<!tpu.dma_semaphore, #tpu.memory_space<semaphore_mem>>
      %dma_start3A_24 = tpu.memref_slice %arg2[%mul3A_2] : memref<819200xi32, #tpu.memory_space<hbm>> -> memref<25600xi32, #tpu.memory_space<hbm>>
      %dma_start3A_25 = tpu.memref_slice %arg2[%mul3A_2] : memref<819200xi32, #tpu.memory_space<hbm>> -> memref<25600xi32, #tpu.memory_space<hbm>>
      tpu.enqueue_dma source(%dma_start3A_25 : memref<25600xi32, #tpu.memory_space<hbm>>) target(%arg5 : memref<25600xi32, #tpu.memory_space<vmem>>) target_semaphore(%run_scoped3A : memref<!tpu.dma_semaphore, #tpu.memory_space<semaphore_mem>>)
      %dma_wait3A_26 = tpu.memref_slice %arg2[%mul3A_2] : memref<819200xi32, #tpu.memory_space<hbm>> -> memref<25600xi32, #tpu.memory_space<hbm>>
      %dma_wait3A_27 = tpu.memref_slice %arg2[%mul3A_2] : memref<819200xi32, #tpu.memory_space<hbm>> -> memref<25600xi32, #tpu.memory_space<hbm>>
      tpu.wait_dma2 semaphore(%run_scoped3A : memref<!tpu.dma_semaphore, #tpu.memory_space<semaphore_mem>>) src(%dma_wait3A_27 : memref<25600xi32, #tpu.memory_space<hbm>>) dst(%arg5 : memref<25600xi32, #tpu.memory_space<vmem>>)
      tpu.yield
    }) : () -> ()
    %dma_start3A = arith.constant 0 : i32
    %dma_start3A_3 = tpu.memref_slice %arg5[%dma_start3A] : memref<25600xi32, #tpu.memory_space<vmem>> -> memref<640xi32, #tpu.memory_space<vmem>>
    %dma_start3A_4 = arith.constant 0 : i32
    %dma_start3A_5 = arith.constant 0 : i32
    %dma_start3A_6 = tpu.memref_slice %arg3[%dma_start3A_4, %dma_start3A_5] : memref<1000000x32xf32, #tpu.memory_space<hbm>> -> memref<1000000x32xf32, #tpu.memory_space<hbm>>
    tpu.enqueue_indirect_dma source(%dma_start3A_6 : memref<1000000x32xf32, #tpu.memory_space<hbm>>) target(%arg6 : memref<640x32xf32, #tpu.memory_space<vmem>>) offsets(%dma_start3A_3 : memref<640xi32, #tpu.memory_space<vmem>>) semaphore(%arg10 : memref<!tpu.dma_semaphore, #tpu.memory_space<semaphore_mem>>)
    %dma_start3A_7 = arith.constant 640 : i32
    %dma_start3A_8 = tpu.memref_slice %arg5[%dma_start3A_7] : memref<25600xi32, #tpu.memory_space<vmem>> -> memref<640xi32, #tpu.memory_space<vmem>>
    %dma_start3A_9 = arith.constant 0 : i32
    %dma_start3A_10 = arith.constant 0 : i32
    %dma_start3A_11 = tpu.memref_slice %arg3[%dma_start3A_9, %dma_start3A_10] : memref<1000000x32xf32, #tpu.memory_space<hbm>> -> memref<1000000x32xf32, #tpu.memory_space<hbm>>
    tpu.enqueue_indirect_dma source(%dma_start3A_11 : memref<1000000x32xf32, #tpu.memory_space<hbm>>) target(%arg7 : memref<640x32xf32, #tpu.memory_space<vmem>>) offsets(%dma_start3A_8 : memref<640xi32, #tpu.memory_space<vmem>>) semaphore(%arg11 : memref<!tpu.dma_semaphore, #tpu.memory_space<semaphore_mem>>)
    %scan3A = arith.constant 0 : i32
    %scan3A_12 = arith.constant 0 : i32
    %scan3A_13 = arith.constant 10 : i32
    %scan3A_14 = arith.addi %scan3A_12, %scan3A_13 : i32
    %scan3A_15 = arith.constant 1 : i32
    scf.for %scan3A_24 = %scan3A_12 to %scan3A_14 step %scan3A_15  : i32 {
      %mul3A_25 = arith.constant 4 : i32
      %mul3A_26 = arith.muli %mul3A_25, %scan3A_24 : i32
      %add3A_27 = arith.constant 0 : i32
      %add3A_28 = arith.addi %mul3A_26, %add3A_27 : i32
      %dma_wait3A_29 = arith.constant 0 : i32
      %dma_wait3A_30 = tpu.memref_slice %arg5[%dma_wait3A_29] : memref<25600xi32, #tpu.memory_space<vmem>> -> memref<640xi32, #tpu.memory_space<vmem>>
      %dma_wait3A_31 = arith.constant 0 : i32
      %dma_wait3A_32 = arith.constant 0 : i32
      %dma_wait3A_33 = tpu.memref_slice %arg3[%dma_wait3A_31, %dma_wait3A_32] : memref<1000000x32xf32, #tpu.memory_space<hbm>> -> memref<1000000x32xf32, #tpu.memory_space<hbm>>
      tpu.wait_indirect_dma semaphore(%arg10 : memref<!tpu.dma_semaphore, #tpu.memory_space<semaphore_mem>>) src(%dma_wait3A_33 : memref<1000000x32xf32, #tpu.memory_space<hbm>>) dst(%arg6 : memref<640x32xf32, #tpu.memory_space<vmem>>)
      %mul3A_34 = arith.constant 640 : i32
      %mul3A_35 = arith.muli %add3A_28, %mul3A_34 : i32
      %add3A_36 = arith.addi %mul3A_2, %mul3A_35 : i32
      %dma_start3A_37 = arith.constant 0 : i32
      %dma_start3A_38 = tpu.memref_slice %arg4[%add3A_36, %dma_start3A_37] : memref<819200x32xf32, #tpu.memory_space<hbm>> -> memref<640x32xf32, #tpu.memory_space<hbm>>
      %dma_start3A_39 = arith.constant 0 : i32
      %dma_start3A_40 = tpu.memref_slice %arg4[%add3A_36, %dma_start3A_39] : memref<819200x32xf32, #tpu.memory_space<hbm>> -> memref<640x32xf32, #tpu.memory_space<hbm>>
      tpu.enqueue_dma source(%arg6 : memref<640x32xf32, #tpu.memory_space<vmem>>) target(%dma_start3A_40 : memref<640x32xf32, #tpu.memory_space<hbm>>) target_semaphore(%arg14 : memref<!tpu.dma_semaphore, #tpu.memory_space<semaphore_mem>>)
      %gt3A = arith.constant 0 : i32
      %gt3A_41 = arith.cmpi sgt, %scan3A_24, %gt3A : i32
      %convert_element_type3A = arith.extui %gt3A_41 : i1 to i32
      %cond3A = arith.constant 0 : i32
      %cond3A_42 = arith.cmpi ne, %convert_element_type3A, %cond3A : i32
      scf.if %cond3A_42 {
        %dma_wait3A_131 = arith.constant 0 : i32
        %dma_wait3A_132 = tpu.memref_slice %arg4[%mul3A_2, %dma_wait3A_131] : memref<819200x32xf32, #tpu.memory_space<hbm>> -> memref<640x32xf32, #tpu.memory_space<hbm>>
        %dma_wait3A_133 = arith.constant 0 : i32
        %dma_wait3A_134 = tpu.memref_slice %arg4[%mul3A_2, %dma_wait3A_133] : memref<819200x32xf32, #tpu.memory_space<hbm>> -> memref<640x32xf32, #tpu.memory_space<hbm>>
        tpu.wait_dma2 semaphore(%arg16 : memref<!tpu.dma_semaphore, #tpu.memory_space<semaphore_mem>>) src(%arg8 : memref<640x32xf32, #tpu.memory_space<vmem>>) dst(%dma_wait3A_134 : memref<640x32xf32, #tpu.memory_space<hbm>>)
      } else {
      }
      %add3A_43 = arith.constant 2 : i32
      %add3A_44 = arith.addi %add3A_28, %add3A_43 : i32
      %lt3A = arith.constant 40 : i32
      %lt3A_45 = arith.cmpi slt, %add3A_44, %lt3A : i32
      %convert_element_type3A_46 = arith.extui %lt3A_45 : i1 to i32
      %cond3A_47 = arith.constant 0 : i32
      %cond3A_48 = arith.cmpi ne, %convert_element_type3A_46, %cond3A_47 : i32
      scf.if %cond3A_48 {
        %add3A_131 = arith.constant 2 : i32
        %add3A_132 = arith.addi %add3A_28, %add3A_131 : i32
        %mul3A_133 = arith.constant 640 : i32
        %mul3A_134 = arith.muli %add3A_132, %mul3A_133 : i32
        %dma_start3A_135 = tpu.memref_slice %arg5[%mul3A_134] : memref<25600xi32, #tpu.memory_space<vmem>> -> memref<640xi32, #tpu.memory_space<vmem>>
        %dma_start3A_136 = arith.constant 0 : i32
        %dma_start3A_137 = arith.constant 0 : i32
        %dma_start3A_138 = tpu.memref_slice %arg3[%dma_start3A_136, %dma_start3A_137] : memref<1000000x32xf32, #tpu.memory_space<hbm>> -> memref<1000000x32xf32, #tpu.memory_space<hbm>>
        tpu.enqueue_indirect_dma source(%dma_start3A_138 : memref<1000000x32xf32, #tpu.memory_space<hbm>>) target(%arg8 : memref<640x32xf32, #tpu.memory_space<vmem>>) offsets(%dma_start3A_135 : memref<640xi32, #tpu.memory_space<vmem>>) semaphore(%arg12 : memref<!tpu.dma_semaphore, #tpu.memory_space<semaphore_mem>>)
      } else {
      }
      %mul3A_49 = arith.constant 4 : i32
      %mul3A_50 = arith.muli %mul3A_49, %scan3A_24 : i32
      %add3A_51 = arith.constant 1 : i32
      %add3A_52 = arith.addi %mul3A_50, %add3A_51 : i32
      %dma_wait3A_53 = arith.constant 0 : i32
      %dma_wait3A_54 = tpu.memref_slice %arg5[%dma_wait3A_53] : memref<25600xi32, #tpu.memory_space<vmem>> -> memref<640xi32, #tpu.memory_space<vmem>>
      %dma_wait3A_55 = arith.constant 0 : i32
      %dma_wait3A_56 = arith.constant 0 : i32
      %dma_wait3A_57 = tpu.memref_slice %arg3[%dma_wait3A_55, %dma_wait3A_56] : memref<1000000x32xf32, #tpu.memory_space<hbm>> -> memref<1000000x32xf32, #tpu.memory_space<hbm>>
      tpu.wait_indirect_dma semaphore(%arg11 : memref<!tpu.dma_semaphore, #tpu.memory_space<semaphore_mem>>) src(%dma_wait3A_57 : memref<1000000x32xf32, #tpu.memory_space<hbm>>) dst(%arg7 : memref<640x32xf32, #tpu.memory_space<vmem>>)
      %mul3A_58 = arith.constant 640 : i32
      %mul3A_59 = arith.muli %add3A_52, %mul3A_58 : i32
      %add3A_60 = arith.addi %mul3A_2, %mul3A_59 : i32
      %dma_start3A_61 = arith.constant 0 : i32
      %dma_start3A_62 = tpu.memref_slice %arg4[%add3A_60, %dma_start3A_61] : memref<819200x32xf32, #tpu.memory_space<hbm>> -> memref<640x32xf32, #tpu.memory_space<hbm>>
      %dma_start3A_63 = arith.constant 0 : i32
      %dma_start3A_64 = tpu.memref_slice %arg4[%add3A_60, %dma_start3A_63] : memref<819200x32xf32, #tpu.memory_space<hbm>> -> memref<640x32xf32, #tpu.memory_space<hbm>>
      tpu.enqueue_dma source(%arg7 : memref<640x32xf32, #tpu.memory_space<vmem>>) target(%dma_start3A_64 : memref<640x32xf32, #tpu.memory_space<hbm>>) target_semaphore(%arg15 : memref<!tpu.dma_semaphore, #tpu.memory_space<semaphore_mem>>)
      %gt3A_65 = arith.constant 0 : i32
      %gt3A_66 = arith.cmpi sgt, %scan3A_24, %gt3A_65 : i32
      %convert_element_type3A_67 = arith.extui %gt3A_66 : i1 to i32
      %cond3A_68 = arith.constant 0 : i32
      %cond3A_69 = arith.cmpi ne, %convert_element_type3A_67, %cond3A_68 : i32
      scf.if %cond3A_69 {
        %dma_wait3A_131 = arith.constant 0 : i32
        %dma_wait3A_132 = tpu.memref_slice %arg4[%mul3A_2, %dma_wait3A_131] : memref<819200x32xf32, #tpu.memory_space<hbm>> -> memref<640x32xf32, #tpu.memory_space<hbm>>
        %dma_wait3A_133 = arith.constant 0 : i32
        %dma_wait3A_134 = tpu.memref_slice %arg4[%mul3A_2, %dma_wait3A_133] : memref<819200x32xf32, #tpu.memory_space<hbm>> -> memref<640x32xf32, #tpu.memory_space<hbm>>
        tpu.wait_dma2 semaphore(%arg17 : memref<!tpu.dma_semaphore, #tpu.memory_space<semaphore_mem>>) src(%arg9 : memref<640x32xf32, #tpu.memory_space<vmem>>) dst(%dma_wait3A_134 : memref<640x32xf32, #tpu.memory_space<hbm>>)
      } else {
      }
      %add3A_70 = arith.constant 2 : i32
      %add3A_71 = arith.addi %add3A_52, %add3A_70 : i32
      %lt3A_72 = arith.constant 40 : i32
      %lt3A_73 = arith.cmpi slt, %add3A_71, %lt3A_72 : i32
      %convert_element_type3A_74 = arith.extui %lt3A_73 : i1 to i32
      %cond3A_75 = arith.constant 0 : i32
      %cond3A_76 = arith.cmpi ne, %convert_element_type3A_74, %cond3A_75 : i32
      scf.if %cond3A_76 {
        %add3A_131 = arith.constant 2 : i32
        %add3A_132 = arith.addi %add3A_52, %add3A_131 : i32
        %mul3A_133 = arith.constant 640 : i32
        %mul3A_134 = arith.muli %add3A_132, %mul3A_133 : i32
        %dma_start3A_135 = tpu.memref_slice %arg5[%mul3A_134] : memref<25600xi32, #tpu.memory_space<vmem>> -> memref<640xi32, #tpu.memory_space<vmem>>
        %dma_start3A_136 = arith.constant 0 : i32
        %dma_start3A_137 = arith.constant 0 : i32
        %dma_start3A_138 = tpu.memref_slice %arg3[%dma_start3A_136, %dma_start3A_137] : memref<1000000x32xf32, #tpu.memory_space<hbm>> -> memref<1000000x32xf32, #tpu.memory_space<hbm>>
        tpu.enqueue_indirect_dma source(%dma_start3A_138 : memref<1000000x32xf32, #tpu.memory_space<hbm>>) target(%arg9 : memref<640x32xf32, #tpu.memory_space<vmem>>) offsets(%dma_start3A_135 : memref<640xi32, #tpu.memory_space<vmem>>) semaphore(%arg13 : memref<!tpu.dma_semaphore, #tpu.memory_space<semaphore_mem>>)
      } else {
      }
      %mul3A_77 = arith.constant 4 : i32
      %mul3A_78 = arith.muli %mul3A_77, %scan3A_24 : i32
      %add3A_79 = arith.constant 2 : i32
      %add3A_80 = arith.addi %mul3A_78, %add3A_79 : i32
      %dma_wait3A_81 = arith.constant 0 : i32
      %dma_wait3A_82 = tpu.memref_slice %arg5[%dma_wait3A_81] : memref<25600xi32, #tpu.memory_space<vmem>> -> memref<640xi32, #tpu.memory_space<vmem>>
      %dma_wait3A_83 = arith.constant 0 : i32
      %dma_wait3A_84 = arith.constant 0 : i32
      %dma_wait3A_85 = tpu.memref_slice %arg3[%dma_wait3A_83, %dma_wait3A_84] : memref<1000000x32xf32, #tpu.memory_space<hbm>> -> memref<1000000x32xf32, #tpu.memory_space<hbm>>
      tpu.wait_indirect_dma semaphore(%arg12 : memref<!tpu.dma_semaphore, #tpu.memory_space<semaphore_mem>>) src(%dma_wait3A_85 : memref<1000000x32xf32, #tpu.memory_space<hbm>>) dst(%arg8 : memref<640x32xf32, #tpu.memory_space<vmem>>)
      %mul3A_86 = arith.constant 640 : i32
      %mul3A_87 = arith.muli %add3A_80, %mul3A_86 : i32
      %add3A_88 = arith.addi %mul3A_2, %mul3A_87 : i32
      %dma_start3A_89 = arith.constant 0 : i32
      %dma_start3A_90 = tpu.memref_slice %arg4[%add3A_88, %dma_start3A_89] : memref<819200x32xf32, #tpu.memory_space<hbm>> -> memref<640x32xf32, #tpu.memory_space<hbm>>
      %dma_start3A_91 = arith.constant 0 : i32
      %dma_start3A_92 = tpu.memref_slice %arg4[%add3A_88, %dma_start3A_91] : memref<819200x32xf32, #tpu.memory_space<hbm>> -> memref<640x32xf32, #tpu.memory_space<hbm>>
      tpu.enqueue_dma source(%arg8 : memref<640x32xf32, #tpu.memory_space<vmem>>) target(%dma_start3A_92 : memref<640x32xf32, #tpu.memory_space<hbm>>) target_semaphore(%arg16 : memref<!tpu.dma_semaphore, #tpu.memory_space<semaphore_mem>>)
      %dma_wait3A_93 = arith.constant 0 : i32
      %dma_wait3A_94 = tpu.memref_slice %arg4[%mul3A_2, %dma_wait3A_93] : memref<819200x32xf32, #tpu.memory_space<hbm>> -> memref<640x32xf32, #tpu.memory_space<hbm>>
      %dma_wait3A_95 = arith.constant 0 : i32
      %dma_wait3A_96 = tpu.memref_slice %arg4[%mul3A_2, %dma_wait3A_95] : memref<819200x32xf32, #tpu.memory_space<hbm>> -> memref<640x32xf32, #tpu.memory_space<hbm>>
      tpu.wait_dma2 semaphore(%arg14 : memref<!tpu.dma_semaphore, #tpu.memory_space<semaphore_mem>>) src(%arg6 : memref<640x32xf32, #tpu.memory_space<vmem>>) dst(%dma_wait3A_96 : memref<640x32xf32, #tpu.memory_space<hbm>>)
      %add3A_97 = arith.constant 2 : i32
      %add3A_98 = arith.addi %add3A_80, %add3A_97 : i32
      %lt3A_99 = arith.constant 40 : i32
      %lt3A_100 = arith.cmpi slt, %add3A_98, %lt3A_99 : i32
      %convert_element_type3A_101 = arith.extui %lt3A_100 : i1 to i32
      %cond3A_102 = arith.constant 0 : i32
      %cond3A_103 = arith.cmpi ne, %convert_element_type3A_101, %cond3A_102 : i32
      scf.if %cond3A_103 {
        %add3A_131 = arith.constant 2 : i32
        %add3A_132 = arith.addi %add3A_80, %add3A_131 : i32
        %mul3A_133 = arith.constant 640 : i32
        %mul3A_134 = arith.muli %add3A_132, %mul3A_133 : i32
        %dma_start3A_135 = tpu.memref_slice %arg5[%mul3A_134] : memref<25600xi32, #tpu.memory_space<vmem>> -> memref<640xi32, #tpu.memory_space<vmem>>
        %dma_start3A_136 = arith.constant 0 : i32
        %dma_start3A_137 = arith.constant 0 : i32
        %dma_start3A_138 = tpu.memref_slice %arg3[%dma_start3A_136, %dma_start3A_137] : memref<1000000x32xf32, #tpu.memory_space<hbm>> -> memref<1000000x32xf32, #tpu.memory_space<hbm>>
        tpu.enqueue_indirect_dma source(%dma_start3A_138 : memref<1000000x32xf32, #tpu.memory_space<hbm>>) target(%arg6 : memref<640x32xf32, #tpu.memory_space<vmem>>) offsets(%dma_start3A_135 : memref<640xi32, #tpu.memory_space<vmem>>) semaphore(%arg10 : memref<!tpu.dma_semaphore, #tpu.memory_space<semaphore_mem>>)
      } else {
      }
      %mul3A_104 = arith.constant 4 : i32
      %mul3A_105 = arith.muli %mul3A_104, %scan3A_24 : i32
      %add3A_106 = arith.constant 3 : i32
      %add3A_107 = arith.addi %mul3A_105, %add3A_106 : i32
      %dma_wait3A_108 = arith.constant 0 : i32
      %dma_wait3A_109 = tpu.memref_slice %arg5[%dma_wait3A_108] : memref<25600xi32, #tpu.memory_space<vmem>> -> memref<640xi32, #tpu.memory_space<vmem>>
      %dma_wait3A_110 = arith.constant 0 : i32
      %dma_wait3A_111 = arith.constant 0 : i32
      %dma_wait3A_112 = tpu.memref_slice %arg3[%dma_wait3A_110, %dma_wait3A_111] : memref<1000000x32xf32, #tpu.memory_space<hbm>> -> memref<1000000x32xf32, #tpu.memory_space<hbm>>
      tpu.wait_indirect_dma semaphore(%arg13 : memref<!tpu.dma_semaphore, #tpu.memory_space<semaphore_mem>>) src(%dma_wait3A_112 : memref<1000000x32xf32, #tpu.memory_space<hbm>>) dst(%arg9 : memref<640x32xf32, #tpu.memory_space<vmem>>)
      %mul3A_113 = arith.constant 640 : i32
      %mul3A_114 = arith.muli %add3A_107, %mul3A_113 : i32
      %add3A_115 = arith.addi %mul3A_2, %mul3A_114 : i32
      %dma_start3A_116 = arith.constant 0 : i32
      %dma_start3A_117 = tpu.memref_slice %arg4[%add3A_115, %dma_start3A_116] : memref<819200x32xf32, #tpu.memory_space<hbm>> -> memref<640x32xf32, #tpu.memory_space<hbm>>
      %dma_start3A_118 = arith.constant 0 : i32
      %dma_start3A_119 = tpu.memref_slice %arg4[%add3A_115, %dma_start3A_118] : memref<819200x32xf32, #tpu.memory_space<hbm>> -> memref<640x32xf32, #tpu.memory_space<hbm>>
      tpu.enqueue_dma source(%arg9 : memref<640x32xf32, #tpu.memory_space<vmem>>) target(%dma_start3A_119 : memref<640x32xf32, #tpu.memory_space<hbm>>) target_semaphore(%arg17 : memref<!tpu.dma_semaphore, #tpu.memory_space<semaphore_mem>>)
      %dma_wait3A_120 = arith.constant 0 : i32
      %dma_wait3A_121 = tpu.memref_slice %arg4[%mul3A_2, %dma_wait3A_120] : memref<819200x32xf32, #tpu.memory_space<hbm>> -> memref<640x32xf32, #tpu.memory_space<hbm>>
      %dma_wait3A_122 = arith.constant 0 : i32
      %dma_wait3A_123 = tpu.memref_slice %arg4[%mul3A_2, %dma_wait3A_122] : memref<819200x32xf32, #tpu.memory_space<hbm>> -> memref<640x32xf32, #tpu.memory_space<hbm>>
      tpu.wait_dma2 semaphore(%arg15 : memref<!tpu.dma_semaphore, #tpu.memory_space<semaphore_mem>>) src(%arg7 : memref<640x32xf32, #tpu.memory_space<vmem>>) dst(%dma_wait3A_123 : memref<640x32xf32, #tpu.memory_space<hbm>>)
      %add3A_124 = arith.constant 2 : i32
      %add3A_125 = arith.addi %add3A_107, %add3A_124 : i32
      %lt3A_126 = arith.constant 40 : i32
      %lt3A_127 = arith.cmpi slt, %add3A_125, %lt3A_126 : i32
      %convert_element_type3A_128 = arith.extui %lt3A_127 : i1 to i32
      %cond3A_129 = arith.constant 0 : i32
      %cond3A_130 = arith.cmpi ne, %convert_element_type3A_128, %cond3A_129 : i32
      scf.if %cond3A_130 {
        %add3A_131 = arith.constant 2 : i32
        %add3A_132 = arith.addi %add3A_107, %add3A_131 : i32
        %mul3A_133 = arith.constant 640 : i32
        %mul3A_134 = arith.muli %add3A_132, %mul3A_133 : i32
        %dma_start3A_135 = tpu.memref_slice %arg5[%mul3A_134] : memref<25600xi32, #tpu.memory_space<vmem>> -> memref<640xi32, #tpu.memory_space<vmem>>
        %dma_start3A_136 = arith.constant 0 : i32
        %dma_start3A_137 = arith.constant 0 : i32
        %dma_start3A_138 = tpu.memref_slice %arg3[%dma_start3A_136, %dma_start3A_137] : memref<1000000x32xf32, #tpu.memory_space<hbm>> -> memref<1000000x32xf32, #tpu.memory_space<hbm>>
        tpu.enqueue_indirect_dma source(%dma_start3A_138 : memref<1000000x32xf32, #tpu.memory_space<hbm>>) target(%arg7 : memref<640x32xf32, #tpu.memory_space<vmem>>) offsets(%dma_start3A_135 : memref<640xi32, #tpu.memory_space<vmem>>) semaphore(%arg11 : memref<!tpu.dma_semaphore, #tpu.memory_space<semaphore_mem>>)
      } else {
      }
    }
    %scan3A_16 = arith.constant 10 : i32
    %dma_wait3A = arith.constant 0 : i32
    %dma_wait3A_17 = tpu.memref_slice %arg4[%mul3A_2, %dma_wait3A] : memref<819200x32xf32, #tpu.memory_space<hbm>> -> memref<640x32xf32, #tpu.memory_space<hbm>>
    %dma_wait3A_18 = arith.constant 0 : i32
    %dma_wait3A_19 = tpu.memref_slice %arg4[%mul3A_2, %dma_wait3A_18] : memref<819200x32xf32, #tpu.memory_space<hbm>> -> memref<640x32xf32, #tpu.memory_space<hbm>>
    tpu.wait_dma2 semaphore(%arg16 : memref<!tpu.dma_semaphore, #tpu.memory_space<semaphore_mem>>) src(%arg8 : memref<640x32xf32, #tpu.memory_space<vmem>>) dst(%dma_wait3A_19 : memref<640x32xf32, #tpu.memory_space<hbm>>)
    %dma_wait3A_20 = arith.constant 0 : i32
    %dma_wait3A_21 = tpu.memref_slice %arg4[%mul3A_2, %dma_wait3A_20] : memref<819200x32xf32, #tpu.memory_space<hbm>> -> memref<640x32xf32, #tpu.memory_space<hbm>>
    %dma_wait3A_22 = arith.constant 0 : i32
    %dma_wait3A_23 = tpu.memref_slice %arg4[%mul3A_2, %dma_wait3A_22] : memref<819200x32xf32, #tpu.memory_space<hbm>> -> memref<640x32xf32, #tpu.memory_space<hbm>>
    tpu.wait_dma2 semaphore(%arg17 : memref<!tpu.dma_semaphore, #tpu.memory_space<semaphore_mem>>) src(%arg9 : memref<640x32xf32, #tpu.memory_space<vmem>>) dst(%dma_wait3A_23 : memref<640x32xf32, #tpu.memory_space<hbm>>)
    return
  }
}

module attributes {stable_mosaic.version = 14 : i64} {
  func.func @body(%arg0: i32, %arg1: memref<32x8064xf32, #tpu.memory_space<vmem>>, %arg2: memref<2016x128xf32, #tpu.memory_space<vmem>>) attributes {dimension_semantics = [#tpu.dimension_semantics<arbitrary>], iteration_bounds = array<i64: 125>, scalar_prefetch = 0 : i64, scratch_operands = 0 : i64, tpu.core_type = #tpu.core_type<tc>, window_params = [{transform_indices = @transform_0, window_bounds = array<i64: 32, 8064>}, {transform_indices = @transform_1, window_bounds = array<i64: 2016, 128>}]} {
    %get3A = arith.constant 0 : index
    %get3A_0 = arith.constant 0 : index
    %get3A_1 = vector.load %arg1[%get3A, %get3A_0] : memref<32x8064xf32, #tpu.memory_space<vmem>>, vector<32x8064xf32>
    %transpose3A = tpu.transpose %get3A_1, [1, 0] : vector<32x8064xf32> -> vector<8064x32xf32>
    %reshape3A = vector.shape_cast %transpose3A : vector<8064x32xf32> to vector<2016x4x32xf32>
    %slice3A = vector.extract_strided_slice %reshape3A {offsets = [0, 0, 0], sizes = [2016, 1, 32], strides = [1, 1, 1]} : vector<2016x4x32xf32> to vector<2016x1x32xf32>
    %squeeze3A = vector.shape_cast %slice3A : vector<2016x1x32xf32> to vector<2016x32xf32>
    %slice3A_2 = vector.extract_strided_slice %reshape3A {offsets = [0, 1, 0], sizes = [2016, 1, 32], strides = [1, 1, 1]} : vector<2016x4x32xf32> to vector<2016x1x32xf32>
    %squeeze3A_3 = vector.shape_cast %slice3A_2 : vector<2016x1x32xf32> to vector<2016x32xf32>
    %slice3A_4 = vector.extract_strided_slice %reshape3A {offsets = [0, 2, 0], sizes = [2016, 1, 32], strides = [1, 1, 1]} : vector<2016x4x32xf32> to vector<2016x1x32xf32>
    %squeeze3A_5 = vector.shape_cast %slice3A_4 : vector<2016x1x32xf32> to vector<2016x32xf32>
    %slice3A_6 = vector.extract_strided_slice %reshape3A {offsets = [0, 3, 0], sizes = [2016, 1, 32], strides = [1, 1, 1]} : vector<2016x4x32xf32> to vector<2016x1x32xf32>
    %squeeze3A_7 = vector.shape_cast %slice3A_6 : vector<2016x1x32xf32> to vector<2016x32xf32>
    %concatenate3A = tpu.concatenate %squeeze3A, %squeeze3A_3, %squeeze3A_5, %squeeze3A_7 in 1 : vector<2016x32xf32>, vector<2016x32xf32>, vector<2016x32xf32>, vector<2016x32xf32> -> vector<2016x128xf32>
    %swap3A = arith.constant 0 : index
    %swap3A_8 = arith.constant 0 : index
    %swap3A_9 = vector.load %arg2[%swap3A, %swap3A_8] : memref<2016x128xf32, #tpu.memory_space<vmem>>, vector<2016x128xf32>
    tpu.vector_store %arg2[%swap3A, %swap3A_8], %concatenate3A {strides = array<i32>} : memref<2016x128xf32, #tpu.memory_space<vmem>>, vector<2016x128xf32>,
    return
  }
  func.func @transform_0(%arg0: i32) -> (i32, i32) {
    %c0_i32 = arith.constant 0 : i32
    %c0_i32_0 = arith.constant 0 : i32
    return %c0_i32, %arg0 : i32, i32
  }
  func.func @transform_1(%arg0: i32) -> (i32, i32) {
    %c0_i32 = arith.constant 0 : i32
    %c0_i32_0 = arith.constant 0 : i32
    return %arg0, %c0_i32 : i32, i32
  }
}

</mosaic_0001>

<sc_bundles>
// kernel: kernel.4.cloned.1.call-start
scs
__scs_entry_jumppad:
0x0: {  	(pc) =	sbr.rel $0x88, $3  }
0x1: {  	(tag) =	ssettag $0x0;
	lr =	simm.s32 $0x1  }
0x2: {  	[smem:$0x3F9E] =	sst lr;
	_ =	strace $0xD0000000  }
0x3: {  	_ = 	snop  }
0x4: {  	_ = 	snop  }
0x5: {  	_ = 	snop  }
0x6: {  	_ = 	snop  }
0x7: {  	_ = 	snop  }
__scs_overlays_trampoline_lowered:
0x8: {  	[smem:$0x3FAD] =	sst s0  }
0x9: {  	[smem:$0x3FAE] =	sst s1  }
0xa: {  	[smem:$0x3FAF] =	sst s2  }
0xb: {  	[smem:$0x3FB0] =	sst s3  }
0xc: {  	[smem:$0x3FB1] =	sst s4  }
0xd: {  	[smem:$0x3FB2] =	sst s5  }
0xe: {  	[smem:$0x3FB3] =	sst s6  }
0xf: {  	[smem:$0x3FB4] =	sst s7  }
0x10: {  	[smem:$0x3FB5] =	sst s8  }
0x11: {  	[smem:$0x3FB6] =	sst s9;
	s0 =	simm.s32 @!p0 $0x0  }
0x12: {  	s1 =	sld [smem:$0x3F9C];
	s0 =	simm.s32 @p0 $0x1  }
0x13: {  	[smem:$0x3FB7] =	sst s0;
	s0 =	simm.s32 @!p1 $0x0  }
0x14: {  	s2 =	sld [smem:$0x3F9B];
	s0 =	simm.s32 @p1 $0x1  }
0x15: {  	[smem:$0x3FB8] =	sst s0;
	s0 =	simm.s32 @!p2 $0x0  }
0x16: {  	s3 =	sld [smem:$0x3FDB];
	s0 =	simm.s32 @p2 $0x1  }
0x17: {  	s4 =	simm.s32 $0x1BF5;
	[smem:$0x3FBA] =	sst s0  }
0x18: {  	s0 =	sld [smem:$0x3F9D];
	_ =	swait.ge [sflag:s4], $0x0  }
0x19: {  	s7 =	sld [smem:$0x3F9E]  }
0x1a: {  	s8 =	sadd.s32 $0xFFFFE003, lr  }
0x1b: {  	s9 =	sadd.s32 $0xFFFFFEF7, lr;
	s5 =	simm.s32 $0xFFFFFFFF;
	p2 =	slt.u32 s8, $0xFFFFF086  }
0x1c: {  	p1 =	slt.u32 s9, $0xF7A;
	s5 =	simm.s32 @!p2 $0x0  }
0x1d: {  	s5 =	simm.s32 @p1 $0x1;
	p0 =	seq.s32 s7, s2  }
0x1e: {  	s7 =	smul.u32 @!p0 $0xF7A, s2;
	p2 =	seq.s32 @!p0 s5, $0x0  }
0x1f: {  	s9 =	smul.u32 $0xF7A, s1;
	s8 =	simm.s32 @!p0 $0x1BF5;
	p2 =	por !p2, p0  }
0x20: {  	[sflag:s8] =	ssyncset.s32 @!p0 $0xFFFFF086;
	s6 =	sadd.s32 @!p0 s3, s7;
	s7 =	simm.s32 @!p0 $0x108  }
0x21: {  	s3 =	sadd.s32 s3, s9;
	s6 =	sadd.s32 @!p0 $0x88, s6;
	s7 =	simm.s32 @p2 $0x1082  }
0x22: {  	[simem:s7], [sflag:s8] =	dma.local @!p0 [hbm:s6], $0xF7A  }
0x23: {  	s9 =	sor.u32 $0xD0000000, s2;
	s6 =	simm.s32 $0x108;
	_ =	swait.ge @!p0 [sflag:s8], $0x0  }
0x24: {  	s3 =	sadd.s32 $0x88, s3;
	s6 =	simm.s32 @!p1 $0x1082;
	[sflag:s4] =	ssyncset.s32 $0xFFFFF086  }
0x25: {  	[simem:s6], [sflag:s4] =	dma.local [hbm:s3], $0xF7A  }
0x26: {  	[smem:$0x3F9E] =	sst s1;
	(tag) =	ssettag s2;
	_ =	strace s9  }
0x27: {  	s1 =	sld [smem:$0x3FAE]  }
0x28: {  	s2 =	sld [smem:$0x3FAF]  }
0x29: {  	s4 =	sld [smem:$0x3FB1]  }
0x2a: {  	p0 =	seq.s32 s5, $0x0;
	s5 =	sld [smem:$0x3FB2]  }
0x2b: {  	s6 =	sld [smem:$0x3FB3]  }
0x2c: {  	s7 =	sld [smem:$0x3FB4]  }
0x2d: {  	s3 =	simm.s32 $0x108;
	s8 =	sld [smem:$0x3FB5]  }
0x2e: {  	s3 =	simm.s32 @!p0 $0x1082;
	s9 =	sld [smem:$0x3FB6]  }
0x2f: {  	lr =	sadd.s32 s0, s3;
	s0 =	sld [smem:$0x3FAD]  }
0x30: {  	s3 =	sld [smem:$0x3FB0]  }
0x31: {  	[smem:$0x3FB9] =	sst s10  }
0x32: {  	s10 =	sld [smem:$0x3FB7];
	_ =	sdelay $0x3  }
0x33: {  	p0 =	seq.s32 s10, $0x1;
	s10 =	sld [smem:$0x3FB9];
	_ =	sdelay $0x3  }
0x34: {  	[smem:$0x3FB9] =	sst s10  }
0x35: {  	s10 =	sld [smem:$0x3FB8];
	_ =	sdelay $0x3  }
0x36: {  	p1 =	seq.s32 s10, $0x1;
	s10 =	sld [smem:$0x3FB9];
	_ =	sdelay $0x3  }
0x37: {  	[smem:$0x3FB9] =	sst s10  }
0x38: {  	s10 =	sld [smem:$0x3FBA]  }
0x39: {  	_ = 	snop;
	(pc) =	sbr.ind lr, $3  }
0x3a: {  	_ = 	snop  }
0x3b: {  	_ = 	snop  }
0x3c: {  	p2 =	seq.s32 s10, $0x1;
	s10 =	sld [smem:$0x3FB9]  }
0x3d: {  	_ =	shalt  }
0x3e: {  	_ =	shalt  }
0x3f: {  	_ =	shalt  }
0x40: {  	_ =	shalt  }
0x41: {  	_ =	shalt  }
0x42: {  	_ =	shalt  }
0x43: {  	_ =	shalt  }
0x44: {  	_ =	shalt  }
0x45: {  	_ =	shalt  }
0x46: {  	_ =	shalt  }
0x47: {  	_ =	shalt  }
0x48: {  	_ =	shalt  }
0x49: {  	_ =	shalt  }
0x4a: {  	_ =	shalt  }
0x4b: {  	_ =	shalt  }
0x4c: {  	_ =	shalt  }
0x4d: {  	_ =	shalt  }
0x4e: {  	_ =	shalt  }
0x4f: {  	_ =	shalt  }
0x50: {  	_ =	shalt  }
0x51: {  	_ =	shalt  }
0x52: {  	_ =	shalt  }
0x53: {  	_ =	shalt  }
0x54: {  	_ =	shalt  }
0x55: {  	_ =	shalt  }
0x56: {  	_ =	shalt  }
0x57: {  	_ =	shalt  }
0x58: {  	_ =	shalt  }
0x59: {  	_ =	shalt  }
0x5a: {  	_ =	shalt  }
0x5b: {  	_ =	shalt  }
0x5c: {  	_ =	shalt  }
0x5d: {  	_ =	shalt  }
0x5e: {  	_ =	shalt  }
0x5f: {  	_ =	shalt  }
0x60: {  	_ =	shalt  }
0x61: {  	_ =	shalt  }
0x62: {  	_ =	shalt  }
0x63: {  	_ =	shalt  }
0x64: {  	_ =	shalt  }
0x65: {  	_ =	shalt  }
0x66: {  	_ =	shalt  }
0x67: {  	_ =	shalt  }
0x68: {  	_ =	shalt  }
0x69: {  	_ =	shalt  }
0x6a: {  	_ =	shalt  }
0x6b: {  	_ =	shalt  }
0x6c: {  	_ =	shalt  }
0x6d: {  	_ =	shalt  }
0x6e: {  	_ =	shalt  }
0x6f: {  	_ =	shalt  }
0x70: {  	_ =	shalt  }
0x71: {  	_ =	shalt  }
0x72: {  	_ =	shalt  }
0x73: {  	_ =	shalt  }
0x74: {  	_ =	shalt  }
0x75: {  	_ =	shalt  }
0x76: {  	_ =	shalt  }
0x77: {  	_ =	shalt  }
0x78: {  	_ =	shalt  }
0x79: {  	_ =	shalt  }
0x7a: {  	_ =	shalt  }
0x7b: {  	_ =	shalt  }
0x7c: {  	_ =	shalt  }
0x7d: {  	_ =	shalt  }
0x7e: {  	_ =	shalt  }
0x7f: {  	_ =	shalt  }
0x80: {  	_ =	shalt  }
0x81: {  	_ =	shalt  }
0x82: {  	_ =	shalt  }
0x83: {  	_ =	shalt  }
0x84: {  	_ =	shalt  }
0x85: {  	_ =	shalt  }
0x86: {  	_ =	shalt  }
0x87: {  	_ =	shalt  }
.Lfunc_end0:
.L_simem_size_0:
called_computation.1_lowered:
.L_overlay_start_0:
0x88: {  	s2 =	sld [smem:$0x3FD9]  }
0x89: {  	s3 =	sld [smem:$0x3FFE];
	_ =	sdelay $0x1  }
0x8a: {  	s1 =	srdreg.scid  }
0x8b: {  	s0 =	sand.u32 $0x1, s1  }
0x8c: {  	s14 =	sshll.u32 s0, $0xA;
	s2 =	sadd.s32 s3, s2  }
0x8d: {  	s2 =	sadd.s32 s2, s14  }
0x8e: {  	[smem:$0x3FC5] =	sst s2  }
0x8f: {  	_ = 	snop  }
0x90: {  	s2 =	sld [smem:$0x3FD0];
	_ =	sdelay $0x2  }
0x91: {  	s4 =	simm.s32 $0xA;
	s5 =	simm.s32 $0x10;
	s15 =	sld [smem:$0x3FC9]  }
0x92: {  	[smem:s5], [sflag:s4] =	dma.local [hbm:s2], $0x1  }
0x93: {  	_ =	swait.eq [sflag:s4], $0x1  }
0x94: {  	[sflag:s4] =	ssyncset.done $0x0  }
0x95: {  	[sflag:s4] =	ssyncadd.s32 $0xFFFFFFFF  }
0x96: {  	s16 =	sld [smem:$0x10];
	(tm) =	ssettm $0x1  }
0x97: {  	s17 =	sld [smem:$0x3FFB];
	_ =	sdelay $0x3  }
0x98: {  	_ =	strace s17  }
0x99: {  	s4 =	sld [smem:$0x3FFC];
	_ =	sdelay $0x3  }
0x9a: {  	_ =	strace s4  }
0x9b: {  	s4 =	sld [smem:$0x3FFD];
	_ =	sdelay $0x3  }
0x9c: {  	_ =	strace s4  }
0x9d: {  	_ =	strace $0x8FFFFFFF  }
0x9e: {  	s18 =	sld [smem:$0x3FDB];
	_ =	sdelay $0x1  }
0x9f: {  	s19 =	simm.s32 $_scs_section_size  }
0xa0: {  	s6 =	simm.s32 $_size__tile_overlayer_lowered;
	s7 =	simm.s32 $_tile_overlayer_lowered  }
0xa1: {  	s22 =	simm.s32 $0x1BFF;
	s21 =	sshll.u32 s7, $0x1;
	s4 =	sadd.s32 s19, s18  }
0xa2: {  	s8 =	simm.s32 $0x0;
	s20 =	sshll.u32 s6, $0x1;
	s6 =	sadd.s32 s21, s4  }
0xa3: {  	[timem:s8], [sflag:s22] =	dma.local [hbm:s6], s20  }
0xa4: {  	_ =	swait.ge [sflag:s22], s20  }
0xa5: {  	s5 =	ssub.s32 $0x0, s20;
	[sflag:s22] =	ssyncset.done $0x0  }
0xa6: {  	[sflag:s22] =	ssyncadd.s32 s5;
	_ =	sdelay $0x1  }
0xa7: {  	s23 =	simm.s32 $0x1B8B  }
0xa8: {  	_ =	swait.ge [sflag:s23], $0x1  }
0xa9: {  	[sflag:s23] =	ssyncset.done $0x0  }
0xaa: {  	s25 =	simm.s32 $0x1B8E;
	s24 =	sld [smem:$0x3FFE];
	[sflag:s23] =	ssyncadd.s32 $0xFFFFFFFF  }
0xab: {  	s26 =	simm.s32 $execute0_lowered;
	[smem:$0x3FD2] =	sst s25  }
0xac: {  	s6 =	sshll.u32 s26, $0x1;
	_ =	strace $0x80000046;
	[dreg:$0x1] =	wrdreg $0xFFFFFFFF  }
0xad: {  	s28 =	simm.s32 $_size_execute0_lowered;
	s4 =	sadd.s32 s4, s6;
	[dreg:$0x0] =	wrdreg $0x0  }
0xae: {  	s6 =	sshll.u32 s28, $0x1;
	[dreg:$0x2] =	wrdreg s4  }
0xaf: {  	[dreg:$0x3] =	wrdreg s6  }
0xb0: {  	[dreg:$0x4] =	wrdreg $0xC0  }
0xb1: {  	_ =	task [dreg:s8], $0x5FFFF  }
0xb2: {  	[dreg:$0x1] =	wrdreg $0xFFFFFFFF  }
0xb3: {  	[dreg:$0x0] =	wrdreg $0x60  }
0xb4: {  	[dreg:$0x2] =	wrdreg s15  }
0xb5: {  	[dreg:$0x3] =	wrdreg s24  }
0xb6: {  	[dreg:$0x4] =	wrdreg s16  }
0xb7: {  	[dreg:$0x5] =	wrdreg $0x9  }
0xb8: {  	_ =	task.clear_ibuf [dreg:s8], $0x6FFFF;
	_ =	strace $0x90000046  }
0xb9: {  	s29 =	simm.s32 $0x9;
	_ =	strace $0x80000048  }
0xba: {  	_ =	swait.ge [sflag:s29], $0x1  }
0xbb: {  	[sflag:s29] =	ssyncadd.s32 $0xFFFFFFFF  }
0xbc: {  	_ =	strace $0x90000048  }
0xbd: {  	_ =	sfence  }
0xbe: {  	s30 =	sld [smem:$0x0];
	_ =	sdelay $0x2  }
0xbf: {  	s31 =	sshll.u32 s1, $0xD;
	s1 =	sshrl.u32 s1, $0x2  }
0xc0: {  	s3 =	sand.u32 $0x4000, s31;
	s1 =	sadd.s32 s1, s30  }
0xc1: {  	s0 =	sor.u32 s3, s0;
	s1 =	sshll.u32 s1, $0x11  }
0xc2: {  	s0 =	sor.u32 s1, s0  }
0xc3: {  	s0 =	sadd.s32 $0x8F2B, s0  }
0xc4: {  	[sflag:s0] =	ssyncadd.remote.s32 $0x1  }
0xc5: {  	_ =	sfence.sel $0xFFFF  }
0xc6: {  	[dreg:$0x0] =	wrdreg $0xFFFFFFFF;
	(pc) =	sbr.abs _section_cstart, $3  }
0xc7: {  	[dreg:$0x1] =	wrdreg $0xFFFFFFFF  }
0xc8: {  	_ =	task.clear_ibuf [dreg:s8], $0x2FFFF;
	_ =	strace $0x9FFFFFFF  }
0xc9: {  	(tm) =	ssettm $0x7FFFFFFF  }
tec
execute0_lowered:
.L_overlay_start_1:
0x0: {  	(tag) =	ssettag $0x1  }
0x1: {  	s4 =	rddreg [dreg:$0x0]  }
0x2: {  	s3 =	rddreg [dreg:$0x1]  }
0x3: {  	s7 =	rddreg [dreg:$0x2]  }
0x4: {  	s0 =	rddreg [dreg:$0x3];
	s2 =	simm.s32 $0x0;
	s5 =	srdreg.scid  }
0x5: {  	s1 =	stileid.u32;
	s12 =	simm.s32 $0x6400;
	s13 =	simm.s32 $0xB400  }
0x6: {  	s14 =	simm.s32 $0x1;
	s15 =	simm.s32 $0x10400;
	s16 =	simm.s32 $0x2  }
0x7: {  	s17 =	simm.s32 $0x15400;
	s18 =	simm.s32 $0x3;
	s19 =	simm.s32 $0x5  }
0x8: {  	s20 =	simm.s32 $0x4;
	s21 =	simm.s32 $0x6;
	s22 =	simm.s32 $0x7  }
0x9: {  	s23 =	simm.s32 $0x8;
	s24 =	simm.s32 $0x0;
	s8 =	smul.u32 $0xC800, s1  }
0xa: {  	[smem:$0x7FF] =	sst s2;
	s5 =	sand.u32 $0x1, s5;
	s29 =	smul.u32 $0x32000, s1  }
0xb: {  	s6 =	sshll.u32 s1, $0x1;
	s3 =	sadd.s32 $0xA00, s3;
	s10 =	smul.u32 $0x6400, s5  }
0xc: {  	s9 =	ssub.s32 $0x2, s5;
	s6 =	sor.u32 s5, s6;
	s31 =	smul.u32 $0x19000, s5  }
0xd: {  	_ =	strace $0x80000047;
	s11 =	sshrl.u32 s9, $0x1;
	s6 =	smul.u32 $0x6400, s6  }
.Ltmp0:
0xe: {  	s9 =	ssub.s32 s9, s11;
	s8 =	sadd.s32 s10, s8;
	(pc) =	sbr.rel .LBB2_1-.Ltmp0, $4  }
0xf: {  	s10 =	simm.s32 $0x9;
	s11 =	simm.s32 $0x280;
	s8 =	sshll.u32 s8, $0x2  }
0x10: {  	s6 =	sshrl.u32 s6, $0x3;
	s5 =	smax.u32 s9, $0x1;
	s30 =	sadd.s32 s7, s8  }
0x11: {  	s4 =	sadd.s32 s4, s6;
	s7 =	sadd.s32 s29, s7;
	s6 =	sadd.s32 $0xA00, s30  }
0x12: {  	s7 =	sadd.s32 s31, s7;
	s8 =	sadd.s32 $0x1E00, s30;
	s9 =	sadd.s32 $0x1400, s30  }
.LBB2_4:
0x13: {  	s24 =	sadd.s32 $0x1, s24  }
0x14: {  	_ =	swait.ge [sflag:s22], $0x5000;
	p0 =	sne.s32 s24, s5  }
.Ltmp1:
0x15: {  	[sflag:s22] =	ssyncset.done $0x0;
	(pc) =	sbr.rel @!p0 .LBB2_5-.Ltmp1, $4  }
0x16: {  	[sflag:s22] =	ssyncadd.s32 $0xFFFFB000  }
0x17: {  	_ =	swait.ge [sflag:s23], $0x5000  }
0x18: {  	[sflag:s23] =	ssyncset.done $0x0  }
0x19: {  	[sflag:s23] =	ssyncadd.s32 $0xFFFFB000  }
.LBB2_1:
0x1a: {  	[tilespmem:s2], [sflag:$0x9] =	stream.linear.gather [hbm4b:s4+s2], $0x6400, $0x38;
	[tilespmem:$0x1A400] =	vst v63  }
0x1b: {  	_ =	swait.ge [sflag:s10], $0x6400  }
0x1c: {  	[sflag:s10] =	ssyncset.done $0x0  }
0x1d: {  	[sflag:s10] =	ssyncadd.s32 $0xFFFF9C00  }
0x1e: {  	[tilespmem:s12], [sflag:$0x1] =	stream.indirect.gather [hbm4b:s3+s11], $0x20, s2, s11, $0xb8;
	[tilespmem:$0x1A400] =	vst v63  }
0x1f: {  	s25 =	simm.s32 $0x0  }
0x20: {  	[tilespmem:s13], [sflag:$0x2] =	stream.indirect.gather [hbm4b:s3+s11], $0x20, s11, s11, $0xb8;
	[tilespmem:$0x1A400] =	vst v63  }
.LBB2_2:
0x21: {  	_ =	swait.ge [sflag:s14], $0x5000  }
0x22: {  	p0 =	seq.s32 s25, $0x0;
	[sflag:s14] =	ssyncset.done $0x0  }
0x23: {  	s26 =	sadd.s32 s25, s7;
	s28 =	simm.s32 @!p0 $0x7;
	[sflag:s14] =	ssyncadd.s32 $0xFFFFB000  }
0x24: {  	[hbm4b:s26+s2] =	stream.linear.scatter [tilespmem:s12], [sflag:$0x5], $0x5000, $0x38;
	[tilespmem:$0x1A400] =	vst v63  }
0x25: {  	_ =	swait.ge @!p0 [sflag:s28], $0x5000  }
0x26: {  	s26 =	sshra.s32 s25, $0x2;
	[sflag:s28] =	ssyncset.done @!p0 $0x0  }
0x27: {  	s30 =	sadd.s32 $0x500, s26;
	[sflag:s28] =	ssyncadd.s32 @!p0 $0xFFFFB000  }
0x28: {  	[tilespmem:s15], [sflag:$0x3] =	stream.indirect.gather [hbm4b:s3+s11], $0x20, s30, s11, $0xb8;
	[tilespmem:$0x1A400] =	vst v63  }
0x29: {  	_ =	swait.ge [sflag:s16], $0x5000  }
0x2a: {  	[sflag:s16] =	ssyncset.done $0x0  }
0x2b: {  	s31 =	sadd.s32 s25, s6;
	s28 =	simm.s32 @!p0 $0x8;
	[sflag:s16] =	ssyncadd.s32 $0xFFFFB000  }
0x2c: {  	[hbm4b:s31+s2] =	stream.linear.scatter [tilespmem:s13], [sflag:$0x6], $0x5000, $0x38;
	[tilespmem:$0x1A400] =	vst v63  }
0x2d: {  	_ =	swait.ge @!p0 [sflag:s28], $0x5000  }
0x2e: {  	[sflag:s28] =	ssyncset.done @!p0 $0x0  }
0x2f: {  	s29 =	sadd.s32 $0x780, s26;
	[sflag:s28] =	ssyncadd.s32 @!p0 $0xFFFFB000  }
0x30: {  	[tilespmem:s17], [sflag:$0x4] =	stream.indirect.gather [hbm4b:s3+s11], $0x20, s29, s11, $0xb8;
	[tilespmem:$0x1A400] =	vst v63  }
0x31: {  	_ =	swait.ge [sflag:s18], $0x5000  }
0x32: {  	[sflag:s18] =	ssyncset.done $0x0  }
0x33: {  	s30 =	sadd.s32 s25, s9;
	[sflag:s18] =	ssyncadd.s32 $0xFFFFB000  }
0x34: {  	[hbm4b:s30+s2] =	stream.linear.scatter [tilespmem:s15], [sflag:$0x7], $0x5000, $0x38;
	[tilespmem:$0x1A400] =	vst v63  }
0x35: {  	p0 =	seq.s32 s25, $0x16800;
	_ =	swait.ge [sflag:s19], $0x5000  }
0x36: {  	s28 =	sshra.s32 @!p0 s25, $0x2;
	s29 =	simm.s32 @!p0 $0x280;
	[sflag:s19] =	ssyncset.done $0x0  }
0x37: {  	s28 =	sadd.s32 @!p0 $0xA00, s28;
	s30 =	simm.s32 @!p0 $0x6400;
	[sflag:s19] =	ssyncadd.s32 $0xFFFFB000  }
0x38: {  	[tilespmem:s30], [sflag:$0x1] =	stream.indirect.gather @!p0 [hbm4b:s3+s29], $0x20, s28, s29, $0xb8;
	[tilespmem:$0x1A400] =	vst v63  }
0x39: {  	_ =	swait.ge [sflag:s20], $0x5000  }
0x3a: {  	[sflag:s20] =	ssyncset.done $0x0  }
.Ltmp2:
0x3b: {  	s31 =	sadd.s32 s25, s8;
	[sflag:s20] =	ssyncadd.s32 $0xFFFFB000;
	(pc) =	sbr.rel @p0 .LBB2_4-.Ltmp2, $4  }
0x3c: {  	[hbm4b:s31+s2] =	stream.linear.scatter [tilespmem:s17], [sflag:$0x8], $0x5000, $0x38;
	[tilespmem:$0x1A400] =	vst v63  }
0x3d: {  	_ =	swait.ge [sflag:s21], $0x5000  }
0x3e: {  	[sflag:s21] =	ssyncset.done $0x0  }
0x3f: {  	[sflag:s21] =	ssyncadd.s32 $0xFFFFB000  }
.Ltmp3:
0x40: {  	(pc) =	sbr.rel .LBB2_2-.Ltmp3, $3  }
0x41: {  	_ =	sdelay $0x1  }
0x42: {  	s26 =	sadd.s32 $0xC80, s26;
	s25 =	sadd.s32 $0x2800, s25  }
0x43: {  	[tilespmem:s13], [sflag:$0x2] =	stream.indirect.gather [hbm4b:s3+s11], $0x20, s26, s11, $0xb8;
	[tilespmem:$0x1A400] =	vst v63  }
.LBB2_5:
0x44: {  	_ =	sfence.sel $0x180000  }
0x45: {  	[bflag:$0x0] =	sbarrier.arrive $0xFFFF  }
0x46: {  	p0 =	sne.s32 s1, $0x0;
	_ =	strace $0x90000047  }
0x47: {  	s0 =	sadd.s32 @!p0 $0x100000, s0;
	[bflag:$0x2] =	sbarrier.arrive $0xFFFF  }
0x48: {  	[sflag:s0] =	ssyncadd.tile.s32 @!p0 $0x1;
	_ =	shalt  }
.Lfunc_end2:
_tile_overlayer_lowered:
.L_overlay_start_2:
0x49: {  	(tag) =	ssettag $0x2  }
0x4a: {  	s0 =	rddreg [dreg:$0x0];
	s2 =	stileid.u32  }
0x4b: {  	s1 =	rddreg [dreg:$0x1];
	p0 =	sne.s32 s2, $0x0  }
0x4c: {  	s3 =	rddreg [dreg:$0x2];
	[bflag:$0x3] =	sbarrier.arrive $0xFFFF;
	s2 =	simm.s32 @!p0 $0x1C09  }
0x4d: {  	[timem:s3], [sflag:s2] =	dma.local @!p0 [hbm:s0], s1  }
0x4e: {  	s0 =	simm.s32 @!p0 $0x9  }
0x4f: {  	_ =	swait.ge @!p0 [sflag:s0], s1  }
0x50: {  	s1 =	ssub.s32 @!p0 $0x0, s1;
	[sflag:s0] =	ssyncset.done @!p0 $0x0  }
0x51: {  	[sflag:s0] =	ssyncadd.s32 @!p0 s1  }
0x52: {  	[bflag:$0x3] =	sbarrier.arrive $0xFFFF  }
0x53: {  	_ =	shalt  }

// kernel: sparse-core-data-format-call.cloned.1.call-start
scs
called_computation_lowered:
.L_overlay_start_0:
0x0: {  	s2 =	sld [smem:$0x3FD9]  }
0x1: {  	s3 =	sld [smem:$0x3FFE];
	_ =	sdelay $0x1  }
0x2: {  	s1 =	srdreg.scid  }
0x3: {  	s0 =	sand.u32 $0x1, s1  }
0x4: {  	s15 =	sshll.u32 s0, $0xA;
	s2 =	sadd.s32 s3, s2  }
0x5: {  	s2 =	sadd.s32 s2, s15  }
0x6: {  	[smem:$0x3FC5] =	sst s2  }
0x7: {  	_ = 	snop  }
0x8: {  	s2 =	sld [smem:$0x3FD0];
	_ =	sdelay $0x2  }
0x9: {  	s16 =	simm.s32 $0xA;
	s4 =	simm.s32 $0x10  }
0xa: {  	[smem:s4], [sflag:s16] =	dma.local [hbm:s2], $0x1  }
0xb: {  	_ =	swait.eq [sflag:s16], $0x1  }
0xc: {  	[sflag:s16] =	ssyncset.done $0x0  }
0xd: {  	[sflag:s16] =	ssyncadd.s32 $0xFFFFFFFF  }
0xe: {  	s17 =	sld [smem:$0x10];
	(tm) =	ssettm $0x1  }
0xf: {  	s18 =	sld [smem:$0x3FFB];
	_ =	sdelay $0x3  }
0x10: {  	_ =	strace s18  }
0x11: {  	s3 =	sld [smem:$0x3FFC];
	_ =	sdelay $0x3  }
0x12: {  	_ =	strace s3  }
0x13: {  	s3 =	sld [smem:$0x3FFD];
	_ =	sdelay $0x3  }
0x14: {  	_ =	strace s3  }
0x15: {  	_ =	strace $0x8FFFFFFF  }
0x16: {  	s19 =	sld [smem:$0x3FDB];
	_ =	sdelay $0x1  }
0x17: {  	s20 =	simm.s32 $_scs_section_size  }
0x18: {  	s5 =	simm.s32 $_size__tile_overlayer_lowered;
	s6 =	simm.s32 $_tile_overlayer_lowered  }
0x19: {  	s23 =	simm.s32 $0x1BFF;
	s22 =	sshll.u32 s6, $0x1;
	s3 =	sadd.s32 s20, s19  }
0x1a: {  	s7 =	simm.s32 $0x0;
	s21 =	sshll.u32 s5, $0x1;
	s5 =	sadd.s32 s22, s3  }
0x1b: {  	[timem:s7], [sflag:s23] =	dma.local [hbm:s5], s21  }
0x1c: {  	_ =	swait.ge [sflag:s23], s21  }
0x1d: {  	s4 =	ssub.s32 $0x0, s21;
	[sflag:s23] =	ssyncset.done $0x0  }
0x1e: {  	[sflag:s23] =	ssyncadd.s32 s4;
	_ =	sdelay $0x1  }
0x1f: {  	s24 =	simm.s32 $0x1B8B  }
0x20: {  	_ =	swait.ge [sflag:s24], $0x1  }
0x21: {  	[sflag:s24] =	ssyncset.done $0x0  }
0x22: {  	s26 =	simm.s32 $0x1B8E;
	s25 =	sld [smem:$0x3FFE];
	[sflag:s24] =	ssyncadd.s32 $0xFFFFFFFF  }
0x23: {  	s27 =	simm.s32 $execute0_lowered;
	[smem:$0x3FD2] =	sst s26  }
0x24: {  	s5 =	sshll.u32 s27, $0x1;
	_ =	strace $0x80000049;
	[dreg:$0x1] =	wrdreg $0xFFFFFFFF  }
0x25: {  	s28 =	simm.s32 $_size_execute0_lowered;
	s3 =	sadd.s32 s3, s5;
	[dreg:$0x0] =	wrdreg $0x0  }
0x26: {  	s5 =	sshll.u32 s28, $0x1;
	[dreg:$0x2] =	wrdreg s3  }
0x27: {  	[dreg:$0x3] =	wrdreg s5  }
0x28: {  	[dreg:$0x4] =	wrdreg $0xC0  }
0x29: {  	_ =	task [dreg:s7], $0x5FFFF  }
0x2a: {  	[dreg:$0x1] =	wrdreg $0xFFFFFFFF  }
0x2b: {  	[dreg:$0x0] =	wrdreg $0x60  }
0x2c: {  	[dreg:$0x2] =	wrdreg s25  }
0x2d: {  	[dreg:$0x3] =	wrdreg s17  }
0x2e: {  	[dreg:$0x4] =	wrdreg $0x9  }
0x2f: {  	_ =	task.clear_ibuf [dreg:s7], $0x5FFFF;
	_ =	strace $0x90000049  }
0x30: {  	s29 =	simm.s32 $0x9;
	_ =	strace $0x8000004B  }
0x31: {  	_ =	swait.ge [sflag:s29], $0x1  }
0x32: {  	[sflag:s29] =	ssyncadd.s32 $0xFFFFFFFF  }
0x33: {  	_ =	strace $0x9000004B  }
0x34: {  	_ =	sfence  }
0x35: {  	s30 =	sld [smem:$0x0];
	_ =	sdelay $0x2  }
0x36: {  	s31 =	sshll.u32 s1, $0xD;
	s1 =	sshrl.u32 s1, $0x2  }
0x37: {  	s3 =	sand.u32 $0x4000, s31;
	s1 =	sadd.s32 s1, s30  }
0x38: {  	s0 =	sor.u32 s3, s0;
	s1 =	sshll.u32 s1, $0x11  }
0x39: {  	s0 =	sor.u32 s1, s0  }
0x3a: {  	s0 =	sadd.s32 $0x8F2B, s0  }
0x3b: {  	[sflag:s0] =	ssyncadd.remote.s32 $0x1  }
0x3c: {  	_ =	sfence.sel $0xFFFF  }
0x3d: {  	[dreg:$0x0] =	wrdreg $0xFFFFFFFF;
	(pc) =	sbr.abs _section_cstart, $3  }
0x3e: {  	[dreg:$0x1] =	wrdreg $0xFFFFFFFF  }
0x3f: {  	_ =	task.clear_ibuf [dreg:s7], $0x2FFFF;
	_ =	strace $0x9FFFFFFF  }
0x40: {  	(tm) =	ssettm $0x7FFFFFFF  }
0x41: {  	_ =	shalt  }
tec
execute0_lowered:
.L_overlay_start_1:
0x0: {  	(tag) =	ssettag $0x1  }
0x1: {  	s0 =	srdreg.scid  }
0x2: {  	s1 =	sshll.u32 s0, $0x4  }
0x3: {  	s4 =	rddreg [dreg:$0x0];
	s0 =	stileid.u32;
	s1 =	sand.u32 $0x10, s1  }
0x4: {  	s2 =	rddreg [dreg:$0x1];
	s7 =	simm.s32 $0x1;
	s1 =	sor.u32 s0, s1  }
0x5: {  	s8 =	simm.s32 $0x2;
	s11 =	simm.s32 $0x0;
	s3 =	sshll.u32 s1, $0x7  }
0x6: {  	s10 =	simm.s32 $0x0;
	s4 =	sadd.s32 $0xA00, s4;
	s6 =	ssub.s32 $0xC8000, s3  }
.Ltmp0:
0x7: {  	s1 =	rddreg [dreg:$0x2];
	s5 =	sand.u32 $0xF80, s6;
	(pc) =	sbr.rel .LBB1_1-.Ltmp0, $4  }
0x8: {  	_ =	strace $0x8000004A;
	s9 =	smov.u32 s3;
	p0 =	sne.s32 s5, $0x0  }
0x9: {  	s6 =	sshrl.u32 s6, $0xC;
	s5 =	simm.s32 $0x1;
	s7 =	simm.s32 @!p0 $0x0  }
0xa: {  	[sflag:s5] =	ssyncpa.u1 $0x0;
	p0 =	por $0x0, $0x0;
	s6 =	sadd.s32 s7, s6  }
0xb: {  	[sflag:s8] =	ssyncpa.u1 $0x0;
	s8 =	simm.s32 $0x640000;
	s7 =	sadd.s32 $0x1, s6  }
.LBB1_4:
0xc: {  	s14 =	sshll.u32 s11, $0x3  }
0xd: {  	s30 =	sand.u32 $0x7F, s11;
	s15 =	sand.u32 $0xFFFFFC00, s14  }
0xe: {  	s11 =	sor.u32 s30, s15  }
0xf: {  	s15 =	smulhi.u32 $0x51EB851F, s11  }
0x10: {  	s14 =	smulhi.u32 $0x51EB851F, s14  }
0x11: {  	s15 =	sshrl.u32 s15, $0x12  }
0x12: {  	s14 =	sshrl.u32 s14, $0x12;
	s15 =	smul.u32 $0xC8000, s15  }
0x13: {  	s14 =	sand.u32 $0x1F, s14  }
0x14: {  	s14 =	smul.u32 $0x19000, s14;
	s11 =	ssub.s32 s11, s15  }
0x15: {  	s15 =	sand.u32 $0x7, s11  }
0x16: {  	s14 =	sadd.s32 s2, s14;
	s11 =	sshrl.u32 s11, $0x3;
	s15 =	sshll.u32 s15, $0x12  }
0x17: {  	[tilespmem:s13+$0x0 ss:$0x81] =	vst.msk $0xffff, v0;
	s11 =	sadd.s32 s11, s14;
	s31 =	sor.u32 $0x400, s15  }
0x18: {  	[hbm4b:s11+s31] =	stream.strided.scatter [tilespmem:s12], [sflag:$0x2], $0x1000, s8, s31, $0x20;
	[tilespmem:$0x4040] =	vst v63  }
.LBB1_5:
0x19: {  	s13 =	sadd.s32 $0x1000, s9  }
0x1a: {  	p2 =	sgt.s32 s13, $0xC7FFF  }
0x1b: {  	s13 =	smov.u32 @p2 s3;
	p2 =	sne.s32 s10, s7  }
.Ltmp1:
0x1c: {  	p1 =	slt.u32 s10, $0x2;
	(pc) =	sbr.rel @!p2 .LBB1_6-.Ltmp1, $4  }
0x1d: {  	s12 =	simm.s32 @!p1 $0x2  }
0x1e: {  	s14 =	sadd.s32 $0x1, s10;
	_ =	swait.ge @!p1 [sflag:s12], $0x1000  }
0x1f: {  	s11 =	smov.u32 s9;
	p0 =	por !p0, !p0;
	[sflag:s12] =	ssyncset.done @!p1 $0x0  }
0x20: {  	s10 =	smov.u32 s14;
	s9 =	smov.u32 s13;
	[sflag:s12] =	ssyncadd.s32 @!p1 $0xFFFFF000  }
.LBB1_1:
0x21: {  	p1 =	sge.u32 s10, s6  }
0x22: {  	s12 =	sand.u32 @!p1 $0x1FFFFFF, s9  }
0x23: {  	s13 =	smulhi.u32 @!p1 $0x147AE15, s12;
	_ =	sdelay $0x1  }
0x24: {  	s13 =	sshrl.u32 @!p1 s13, $0xC  }
0x25: {  	s13 =	smul.u32 @!p1 $0xC8000, s13;
	_ =	sdelay $0x1  }
0x26: {  	s31 =	sadd.s32 $0xFFFFFFFF, s10;
	s14 =	sxor.u32 @!p1 $0xFFFFFFFF, s10;
	s12 =	ssub.s32 @!p1 s12, s13  }
0x27: {  	s15 =	simm.s32 @!p1 $0x80;
	s14 =	sshll.u32 @!p1 s14, $0xC;
	s12 =	sshll.u32 @!p1 s12, $0x4  }
0x28: {  	s13 =	sand.u32 @!p1 $0x1000, s14;
	s14 =	simm.s32 @!p1 $0x20;
	s12 =	sadd.s32 @!p1 s4, s12  }
0x29: {  	[tilespmem:s13], [sflag:$0x1] =	stream.strided.gather @!p1 [hbm4b:s12+s14], $0x1000, s15, s14, $0x38;
	[tilespmem:$0x4040] =	vst v63  }
0x2a: {  	p1 =	sge.u32 s31, s6  }
.Ltmp2:
0x2b: {  	_ = 	snop;
	(pc) =	sbr.rel @p1 .LBB1_5-.Ltmp2, $1  }
0x2c: {  	_ =	sdelay $0x3  }
0x2d: {  	s12 =	simm.s32 $0x1  }
0x2e: {  	_ =	swait.ge [sflag:s5], $0x1000;
	s12 =	simm.s32 @!p0 $0x0  }
0x2f: {  	[sflag:s5] =	ssyncset.done $0x0;
	s13 =	sshll.u32 s12, $0xC  }
0x30: {  	[sflag:s5] =	ssyncadd.s32 $0xFFFFF000;
	s16 =	sor.u32 $0x10, s13  }
0x31: {  	s12 =	smul.u32 $0x4080, s12;
	v1 =	vld [tilespmem:s16+$0x0]  }
0x32: {  	s30 =	sand.u32 $0x1, s10;
	v0 =	vld [tilespmem:s16+$0xFFFFFFF0]  }
0x33: {  	s13 =	smul.u32 $0x4080, s30;
	s12 =	sshrl.u32 s12, $0x2  }
0x34: {  	s14 =	sor.u32 $0x2000, s12  }
0x35: {  	s31 =	sshrl.u32 s13, $0x2;
	s13 =	sadd.s32 $0x0, s14  }
0x36: {  	s15 =	simm.s32 $0x4;
	s16 =	sadd.s32 $0x20, s16;
	s12 =	sor.u32 $0x2000, s31;
	[tilespmem:s13+$0x810 ss:$0x81] =	vst.msk $0xffff, v1  }
.LBB1_3:
0x37: {  	v1 =	vld [tilespmem:s16+$0x0];
	p1 =	sne.s32 s15, $0x1FC;
	[tilespmem:s13+$0x0 ss:$0x81] =	vst.msk $0xffff, v0;
	s13 =	smov.u32 s15;
	s15 =	sadd.s32 $0x4, s15  }
.Ltmp3:
0x38: {  	v0 =	vld [tilespmem:s16+$0xFFFFFFF0];
	(pc) =	sbr.rel @p1 .LBB1_3-.Ltmp3, $4  }
0x39: {  	_ = 	snop  }
0x3a: {  	s13 =	sshra.s32 s13, $0x2  }
0x3b: {  	s13 =	sadd.s32 s13, s14  }
0x3c: {  	s16 =	sadd.s32 $0x20, s16;
	[tilespmem:s13+$0x810 ss:$0x81] =	vst.msk $0xffff, v1  }
.Ltmp4:
0x3d: {  	_ = 	snop;
	(pc) =	sbr.rel .LBB1_4-.Ltmp4, $1  }
0x3e: {  	_ =	sdelay $0x3  }
.LBB1_6:
0x3f: {  	_ =	sfence.sel $0x180000  }
0x40: {  	s2 =	simm.s32 $0x1;
	[bflag:$0x0] =	sbarrier.arrive $0xFFFF  }
0x41: {  	s31 =	simm.s32 $0x2;
	[sflag:s2] =	ssyncpa.u1 $0x1  }
0x42: {  	[sflag:s31] =	ssyncpa.u1 $0x1  }
0x43: {  	p0 =	sne.s32 s0, $0x0;
	_ =	strace $0x9000004A  }
0x44: {  	s0 =	sadd.s32 @!p0 $0x100000, s1;
	[bflag:$0x2] =	sbarrier.arrive $0xFFFF  }
0x45: {  	[sflag:s0] =	ssyncadd.tile.s32 @!p0 $0x1;
	_ =	shalt  }
.Lfunc_end1:
_tile_overlayer_lowered:
.L_overlay_start_2:
0x46: {  	(tag) =	ssettag $0x2  }
0x47: {  	s0 =	rddreg [dreg:$0x0];
	s2 =	stileid.u32  }
0x48: {  	s1 =	rddreg [dreg:$0x1];
	p0 =	sne.s32 s2, $0x0  }
0x49: {  	s3 =	rddreg [dreg:$0x2];
	[bflag:$0x3] =	sbarrier.arrive $0xFFFF;
	s2 =	simm.s32 @!p0 $0x1C01  }
0x4a: {  	[timem:s3], [sflag:s2] =	dma.local @!p0 [hbm:s0], s1  }
0x4b: {  	s0 =	simm.s32 @!p0 $0x1  }
0x4c: {  	_ =	swait.ge @!p0 [sflag:s0], s1  }
0x4d: {  	s1 =	ssub.s32 @!p0 $0x0, s1;
	[sflag:s0] =	ssyncset.done @!p0 $0x0  }
0x4e: {  	[sflag:s0] =	ssyncadd.s32 @!p0 s1  }
0x4f: {  	[bflag:$0x3] =	sbarrier.arrive $0xFFFF  }
0x50: {  	_ =	shalt  }

</sc_bundles>
